<compile_context>
chip_gen: v7x
topology: tpu7x:2x2x1
jax: 0.10.2.dev20260603
libtpu: 0.0.44.dev20260713+nightly
codegen_flags: <defaults>
</compile_context>

<pallas_src>
import jax
import jax.numpy as jnp
from jax.experimental import pallas as pl

_BLOCK = 10000


def _mlp_kernel(x_ref, w_ref, b_ref, o_ref):
    acc = jnp.dot(x_ref[...], w_ref[...], preferred_element_type=jnp.float32)
    o_ref[...] = jnp.maximum(acc + b_ref[...], 0.0)


def kernel(movie_x, user_emb_weight, W, b):
    n, f = movie_x.shape
    nu, e = user_emb_weight.shape
    movie = pl.pallas_call(
        _mlp_kernel,
        grid=(n // _BLOCK,),
        in_specs=[
            pl.BlockSpec((_BLOCK, f), lambda i: (i, 0)),
            pl.BlockSpec((f, e), lambda i: (0, 0)),
            pl.BlockSpec((1, e), lambda i: (0, 0)),
        ],
        out_specs=pl.BlockSpec((_BLOCK, e), lambda i: (i, 0)),
        out_shape=jax.ShapeDtypeStruct((n, e), jnp.float32),
    )(movie_x, W, b.reshape(1, -1))
    user = jnp.take(user_emb_weight, jnp.arange(nu, dtype=jnp.int32), axis=0)
    return (user, movie)

# --- scband reference (transcript-rebuilt; emitter-appended) ---
"""Pipeline reference for scband-node-embeddings-50276887167327 (READ-ONLY COPY).

The authoritative reference and input builder live on the scoring server;
editing this copy changes nothing except your own understanding.
"""

import jax, jax.numpy as jnp
import numpy as np

NUM_USERS = 1000000
EMBED_DIM = 32
MOVIE_FEAT_DIM = 128
N_MOVIES = 100000


def setup_inputs(seed: int = 0) -> dict:
    key = jax.random.key(seed)
    k1, k2, k3, k4 = jax.random.split(key, 4)
    movie_x = jax.random.normal(k1, (N_MOVIES, MOVIE_FEAT_DIM), dtype=jnp.float32)
    # Learned parameters
    user_emb_weight = jax.random.normal(k2, (NUM_USERS, EMBED_DIM), dtype=jnp.float32)
    # Linear(movie_feat_dim, embed_dim): torch stores W as [out,in]; we use [in,out] for x @ W
    bound = 1.0 / np.sqrt(MOVIE_FEAT_DIM)
    W = jax.random.uniform(k3, (MOVIE_FEAT_DIM, EMBED_DIM), dtype=jnp.float32, minval=-bound, maxval=bound)
    b = jax.random.uniform(k4, (EMBED_DIM,), dtype=jnp.float32, minval=-bound, maxval=bound)
    return {"movie_x": movie_x, "user_emb_weight": user_emb_weight, "W": W, "b": b}


def reference(movie_x, user_emb_weight, W, b):
    # x_dict['user'] = full user embedding table (nn.Embedding.weight)
    user = user_emb_weight
    # x_dict['movie'] = Dropout(ReLU(Linear(movie_x))); dropout is identity in eval mode
    movie = jax.nn.relu(jnp.dot(movie_x, W) + b)
    return (user, movie)

if __name__ == "__main__":
    import jax
    _d = setup_inputs()
    print(jax.jit(kernel)(*tuple(_d.values())))

</pallas_src>

<mosaic_0001>
module attributes {stable_mosaic.version = 14 : i64} {
  func.func @_mlp_kernel(%arg0: i32, %arg1: memref<10000x128xf32, #tpu.memory_space<vmem>>, %arg2: memref<128x32xf32, #tpu.memory_space<vmem>>, %arg3: memref<1x32xf32, #tpu.memory_space<vmem>>, %arg4: memref<10000x32xf32, #tpu.memory_space<vmem>>) attributes {dimension_semantics = [#tpu.dimension_semantics<arbitrary>], iteration_bounds = array<i64: 10>, scalar_prefetch = 0 : i64, scratch_operands = 0 : i64, tpu.core_type = #tpu.core_type<tc>, window_params = [{transform_indices = @transform_0, window_bounds = array<i64: 10000, 128>}, {pipeline_mode = #tpu.pipeline_mode<synchronous>, transform_indices = @transform_1, window_bounds = array<i64: 128, 32>}, {pipeline_mode = #tpu.pipeline_mode<synchronous>, transform_indices = @transform_2, window_bounds = array<i64: 1, 32>}, {transform_indices = @transform_3, window_bounds = array<i64: 10000, 32>}]} {
    %get3A = arith.constant 0 : index
    %get3A_0 = arith.constant 0 : index
    %get3A_1 = vector.load %arg1[%get3A, %get3A_0] : memref<10000x128xf32, #tpu.memory_space<vmem>>, vector<10000x128xf32>
    %get3A_2 = arith.constant 0 : index
    %get3A_3 = arith.constant 0 : index
    %get3A_4 = vector.load %arg2[%get3A_2, %get3A_3] : memref<128x32xf32, #tpu.memory_space<vmem>>, vector<128x32xf32>
    %dot_general3A = arith.constant dense<0.000000e+00> : vector<10000x32xf32>
    %dot_general3A_5 = tpu.matmul %get3A_1, %get3A_4, %dot_general3A {dimension_numbers = #tpu.dot_dimension_numbers<[1], [0], [0], [1], [0, 0, 1, 1], [], []>, transpose_lhs_hint = false} : vector<10000x128xf32>, vector<128x32xf32>, vector<10000x32xf32> -> vector<10000x32xf32>
    %get3A_6 = arith.constant 0 : index
    %get3A_7 = arith.constant 0 : index
    %get3A_8 = vector.load %arg3[%get3A_6, %get3A_7] : memref<1x32xf32, #tpu.memory_space<vmem>>, vector<1x32xf32>
    %add3A = vector.broadcast %get3A_8 : vector<1x32xf32> to vector<10000x32xf32>
    %add3A_9 = arith.addf %dot_general3A_5, %add3A : vector<10000x32xf32>
    %max3A = arith.constant 0.000000e+00 : f32
    %max3A_10 = vector.broadcast %max3A : f32 to vector<10000x32xf32>
    %max3A_11 = arith.maximumf %add3A_9, %max3A_10 : vector<10000x32xf32>
    %swap3A = arith.constant 0 : index
    %swap3A_12 = arith.constant 0 : index
    %swap3A_13 = vector.load %arg4[%swap3A, %swap3A_12] : memref<10000x32xf32, #tpu.memory_space<vmem>>, vector<10000x32xf32>
    tpu.vector_store %arg4[%swap3A, %swap3A_12], %max3A_11 {strides = array<i32>} : memref<10000x32xf32, #tpu.memory_space<vmem>>, vector<10000x32xf32>,
    return
  }
  func.func @transform_0(%arg0: i32) -> (i32, i32) {
    %c0_i32 = arith.constant 0 : i32
    %c0_i32_0 = arith.constant 0 : i32
    return %arg0, %c0_i32 : i32, i32
  }
  func.func @transform_1(%arg0: i32) -> (i32, i32) {
    %c0_i32 = arith.constant 0 : i32
    %c0_i32_0 = arith.constant 0 : i32
    %c0_i32_1 = arith.constant 0 : i32
    return %c0_i32, %c0_i32_0 : i32, i32
  }
  func.func @transform_2(%arg0: i32) -> (i32, i32) {
    %c0_i32 = arith.constant 0 : i32
    %c0_i32_0 = arith.constant 0 : i32
    %c0_i32_1 = arith.constant 0 : i32
    return %c0_i32, %c0_i32_0 : i32, i32
  }
  func.func @transform_3(%arg0: i32) -> (i32, i32) {
    %c0_i32 = arith.constant 0 : i32
    %c0_i32_0 = arith.constant 0 : i32
    return %arg0, %c0_i32 : i32, i32
  }
}

</mosaic_0001>

<sc_bundles>
// kernel: gather_offload_async_start
scs
__scs_entry_jumppad:
0x0: {  	(pc) =	sbr.rel $0x88, $3  }
0x1: {  	(tag) =	ssettag $0x0;
	lr =	simm.s32 $0x1  }
0x2: {  	[smem:$0x3F9D] =	sst lr;
	_ =	strace $0xD0000000  }
0x3: {  	_ = 	snop  }
0x4: {  	_ = 	snop  }
0x5: {  	_ = 	snop  }
0x6: {  	_ = 	snop  }
0x7: {  	_ = 	snop  }
__scs_overlays_trampoline_lowered:
0x8: {  	[smem:$0x3FAC] =	sst s0  }
0x9: {  	[smem:$0x3FAD] =	sst s1  }
0xa: {  	[smem:$0x3FAE] =	sst s2  }
0xb: {  	[smem:$0x3FAF] =	sst s3  }
0xc: {  	[smem:$0x3FB0] =	sst s4  }
0xd: {  	[smem:$0x3FB1] =	sst s5  }
0xe: {  	[smem:$0x3FB2] =	sst s6  }
0xf: {  	[smem:$0x3FB3] =	sst s7  }
0x10: {  	[smem:$0x3FB4] =	sst s8  }
0x11: {  	[smem:$0x3FB5] =	sst s9;
	s0 =	simm.s32 @!p0 $0x0  }
0x12: {  	s1 =	sld [smem:$0x3F9B];
	s0 =	simm.s32 @p0 $0x1  }
0x13: {  	[smem:$0x3FB6] =	sst s0;
	s0 =	simm.s32 @!p1 $0x0  }
0x14: {  	s2 =	sld [smem:$0x3F9A];
	s0 =	simm.s32 @p1 $0x1  }
0x15: {  	[smem:$0x3FB7] =	sst s0;
	s0 =	simm.s32 @!p2 $0x0  }
0x16: {  	s3 =	sld [smem:$0x3FDB];
	s0 =	simm.s32 @p2 $0x1  }
0x17: {  	s4 =	simm.s32 $0x1BF5;
	[smem:$0x3FB9] =	sst s0  }
0x18: {  	s0 =	sld [smem:$0x3F9C];
	_ =	swait.ge [sflag:s4], $0x0  }
0x19: {  	s7 =	sld [smem:$0x3F9D]  }
0x1a: {  	s8 =	sadd.s32 $0xFFFFE003, lr  }
0x1b: {  	s9 =	sadd.s32 $0xFFFFFEF7, lr;
	s5 =	simm.s32 $0xFFFFFFFF;
	p2 =	slt.u32 s8, $0xFFFFF086  }
0x1c: {  	p1 =	slt.u32 s9, $0xF7A;
	s5 =	simm.s32 @!p2 $0x0  }
0x1d: {  	s5 =	simm.s32 @p1 $0x1;
	p0 =	seq.s32 s7, s2  }
0x1e: {  	s7 =	smul.u32 @!p0 $0xF7A, s2;
	p2 =	seq.s32 @!p0 s5, $0x0  }
0x1f: {  	s9 =	smul.u32 $0xF7A, s1;
	s8 =	simm.s32 @!p0 $0x1BF5;
	p2 =	por !p2, p0  }
0x20: {  	[sflag:s8] =	ssyncset.s32 @!p0 $0xFFFFF086;
	s6 =	sadd.s32 @!p0 s3, s7;
	s7 =	simm.s32 @!p0 $0x108  }
0x21: {  	s3 =	sadd.s32 s3, s9;
	s6 =	sadd.s32 @!p0 $0x88, s6;
	s7 =	simm.s32 @p2 $0x1082  }
0x22: {  	[simem:s7], [sflag:s8] =	dma.local @!p0 [hbm:s6], $0xF7A  }
0x23: {  	s9 =	sor.u32 $0xD0000000, s2;
	s6 =	simm.s32 $0x108;
	_ =	swait.ge @!p0 [sflag:s8], $0x0  }
0x24: {  	s3 =	sadd.s32 $0x88, s3;
	s6 =	simm.s32 @!p1 $0x1082;
	[sflag:s4] =	ssyncset.s32 $0xFFFFF086  }
0x25: {  	[simem:s6], [sflag:s4] =	dma.local [hbm:s3], $0xF7A  }
0x26: {  	[smem:$0x3F9D] =	sst s1;
	(tag) =	ssettag s2;
	_ =	strace s9  }
0x27: {  	s1 =	sld [smem:$0x3FAD]  }
0x28: {  	s2 =	sld [smem:$0x3FAE]  }
0x29: {  	s4 =	sld [smem:$0x3FB0]  }
0x2a: {  	p0 =	seq.s32 s5, $0x0;
	s5 =	sld [smem:$0x3FB1]  }
0x2b: {  	s6 =	sld [smem:$0x3FB2]  }
0x2c: {  	s7 =	sld [smem:$0x3FB3]  }
0x2d: {  	s3 =	simm.s32 $0x108;
	s8 =	sld [smem:$0x3FB4]  }
0x2e: {  	s3 =	simm.s32 @!p0 $0x1082;
	s9 =	sld [smem:$0x3FB5]  }
0x2f: {  	lr =	sadd.s32 s0, s3;
	s0 =	sld [smem:$0x3FAC]  }
0x30: {  	s3 =	sld [smem:$0x3FAF]  }
0x31: {  	[smem:$0x3FB8] =	sst s10  }
0x32: {  	s10 =	sld [smem:$0x3FB6];
	_ =	sdelay $0x3  }
0x33: {  	p0 =	seq.s32 s10, $0x1;
	s10 =	sld [smem:$0x3FB8];
	_ =	sdelay $0x3  }
0x34: {  	[smem:$0x3FB8] =	sst s10  }
0x35: {  	s10 =	sld [smem:$0x3FB7];
	_ =	sdelay $0x3  }
0x36: {  	p1 =	seq.s32 s10, $0x1;
	s10 =	sld [smem:$0x3FB8];
	_ =	sdelay $0x3  }
0x37: {  	[smem:$0x3FB8] =	sst s10  }
0x38: {  	s10 =	sld [smem:$0x3FB9]  }
0x39: {  	_ = 	snop;
	(pc) =	sbr.ind lr, $3  }
0x3a: {  	_ = 	snop  }
0x3b: {  	_ = 	snop  }
0x3c: {  	p2 =	seq.s32 s10, $0x1;
	s10 =	sld [smem:$0x3FB8]  }
0x3d: {  	_ =	shalt  }
0x3e: {  	_ =	shalt  }
0x3f: {  	_ =	shalt  }
0x40: {  	_ =	shalt  }
0x41: {  	_ =	shalt  }
0x42: {  	_ =	shalt  }
0x43: {  	_ =	shalt  }
0x44: {  	_ =	shalt  }
0x45: {  	_ =	shalt  }
0x46: {  	_ =	shalt  }
0x47: {  	_ =	shalt  }
0x48: {  	_ =	shalt  }
0x49: {  	_ =	shalt  }
0x4a: {  	_ =	shalt  }
0x4b: {  	_ =	shalt  }
0x4c: {  	_ =	shalt  }
0x4d: {  	_ =	shalt  }
0x4e: {  	_ =	shalt  }
0x4f: {  	_ =	shalt  }
0x50: {  	_ =	shalt  }
0x51: {  	_ =	shalt  }
0x52: {  	_ =	shalt  }
0x53: {  	_ =	shalt  }
0x54: {  	_ =	shalt  }
0x55: {  	_ =	shalt  }
0x56: {  	_ =	shalt  }
0x57: {  	_ =	shalt  }
0x58: {  	_ =	shalt  }
0x59: {  	_ =	shalt  }
0x5a: {  	_ =	shalt  }
0x5b: {  	_ =	shalt  }
0x5c: {  	_ =	shalt  }
0x5d: {  	_ =	shalt  }
0x5e: {  	_ =	shalt  }
0x5f: {  	_ =	shalt  }
0x60: {  	_ =	shalt  }
0x61: {  	_ =	shalt  }
0x62: {  	_ =	shalt  }
0x63: {  	_ =	shalt  }
0x64: {  	_ =	shalt  }
0x65: {  	_ =	shalt  }
0x66: {  	_ =	shalt  }
0x67: {  	_ =	shalt  }
0x68: {  	_ =	shalt  }
0x69: {  	_ =	shalt  }
0x6a: {  	_ =	shalt  }
0x6b: {  	_ =	shalt  }
0x6c: {  	_ =	shalt  }
0x6d: {  	_ =	shalt  }
0x6e: {  	_ =	shalt  }
0x6f: {  	_ =	shalt  }
0x70: {  	_ =	shalt  }
0x71: {  	_ =	shalt  }
0x72: {  	_ =	shalt  }
0x73: {  	_ =	shalt  }
0x74: {  	_ =	shalt  }
0x75: {  	_ =	shalt  }
0x76: {  	_ =	shalt  }
0x77: {  	_ =	shalt  }
0x78: {  	_ =	shalt  }
0x79: {  	_ =	shalt  }
0x7a: {  	_ =	shalt  }
0x7b: {  	_ =	shalt  }
0x7c: {  	_ =	shalt  }
0x7d: {  	_ =	shalt  }
0x7e: {  	_ =	shalt  }
0x7f: {  	_ =	shalt  }
0x80: {  	_ =	shalt  }
0x81: {  	_ =	shalt  }
0x82: {  	_ =	shalt  }
0x83: {  	_ =	shalt  }
0x84: {  	_ =	shalt  }
0x85: {  	_ =	shalt  }
0x86: {  	_ =	shalt  }
0x87: {  	_ =	shalt  }
.Lfunc_end0:
.L_simem_size_0:
called_computation_lowered:
.L_overlay_start_0:
0x88: {  	s2 =	sld [smem:$0x3FD9]  }
0x89: {  	s3 =	sld [smem:$0x3FFE];
	_ =	sdelay $0x1  }
0x8a: {  	s1 =	srdreg.scid  }
0x8b: {  	s0 =	sand.u32 $0x1, s1  }
0x8c: {  	s14 =	sshll.u32 s0, $0xA;
	s2 =	sadd.s32 s3, s2  }
0x8d: {  	s2 =	sadd.s32 s2, s14  }
0x8e: {  	[smem:$0x3FC4] =	sst s2  }
0x8f: {  	_ = 	snop  }
0x90: {  	s2 =	sld [smem:$0x3FD0];
	_ =	sdelay $0x2  }
0x91: {  	s4 =	simm.s32 $0xA;
	s5 =	simm.s32 $0x10;
	s15 =	sld [smem:$0x3FC8]  }
0x92: {  	[smem:s5], [sflag:s4] =	dma.local [hbm:s2], $0x1  }
0x93: {  	_ =	swait.eq [sflag:s4], $0x1  }
0x94: {  	[sflag:s4] =	ssyncset.done $0x0  }
0x95: {  	[sflag:s4] =	ssyncadd.s32 $0xFFFFFFFF  }
0x96: {  	s16 =	sld [smem:$0x10];
	(tm) =	ssettm $0x1  }
0x97: {  	s17 =	sld [smem:$0x3FFB];
	_ =	sdelay $0x3  }
0x98: {  	_ =	strace s17  }
0x99: {  	s4 =	sld [smem:$0x3FFC];
	_ =	sdelay $0x3  }
0x9a: {  	_ =	strace s4  }
0x9b: {  	s4 =	sld [smem:$0x3FFD];
	_ =	sdelay $0x3  }
0x9c: {  	_ =	strace s4  }
0x9d: {  	_ =	strace $0x8FFFFFFF  }
0x9e: {  	s18 =	sld [smem:$0x3FDB];
	_ =	sdelay $0x1  }
0x9f: {  	s19 =	simm.s32 $_scs_section_size  }
0xa0: {  	s6 =	simm.s32 $_size__tile_overlayer_lowered;
	s7 =	simm.s32 $_tile_overlayer_lowered  }
0xa1: {  	s22 =	simm.s32 $0x1BFF;
	s21 =	sshll.u32 s7, $0x1;
	s4 =	sadd.s32 s19, s18  }
0xa2: {  	s8 =	simm.s32 $0x0;
	s20 =	sshll.u32 s6, $0x1;
	s6 =	sadd.s32 s21, s4  }
0xa3: {  	[timem:s8], [sflag:s22] =	dma.local [hbm:s6], s20  }
0xa4: {  	_ =	swait.ge [sflag:s22], s20  }
0xa5: {  	s5 =	ssub.s32 $0x0, s20;
	[sflag:s22] =	ssyncset.done $0x0  }
0xa6: {  	[sflag:s22] =	ssyncadd.s32 s5;
	_ =	sdelay $0x1  }
0xa7: {  	s23 =	simm.s32 $0x1B8B  }
0xa8: {  	_ =	swait.ge [sflag:s23], $0x1  }
0xa9: {  	[sflag:s23] =	ssyncset.done $0x0  }
0xaa: {  	s25 =	simm.s32 $0x1B8E;
	s24 =	sld [smem:$0x3FFE];
	[sflag:s23] =	ssyncadd.s32 $0xFFFFFFFF  }
0xab: {  	s26 =	simm.s32 $execute0_lowered;
	[smem:$0x3FD2] =	sst s25  }
0xac: {  	s6 =	sshll.u32 s26, $0x1;
	_ =	strace $0x80000046;
	[dreg:$0x1] =	wrdreg $0xFFFFFFFF  }
0xad: {  	s28 =	simm.s32 $_size_execute0_lowered;
	s4 =	sadd.s32 s4, s6;
	[dreg:$0x0] =	wrdreg $0x0  }
0xae: {  	s6 =	sshll.u32 s28, $0x1;
	[dreg:$0x2] =	wrdreg s4  }
0xaf: {  	[dreg:$0x3] =	wrdreg s6  }
0xb0: {  	[dreg:$0x4] =	wrdreg $0xC0  }
0xb1: {  	_ =	task [dreg:s8], $0x5FFFF  }
0xb2: {  	[dreg:$0x1] =	wrdreg $0xFFFFFFFF  }
0xb3: {  	[dreg:$0x0] =	wrdreg $0x60  }
0xb4: {  	[dreg:$0x2] =	wrdreg s15  }
0xb5: {  	[dreg:$0x3] =	wrdreg s24  }
0xb6: {  	[dreg:$0x4] =	wrdreg s16  }
0xb7: {  	[dreg:$0x5] =	wrdreg $0x9  }
0xb8: {  	_ =	task.clear_ibuf [dreg:s8], $0x6FFFF;
	_ =	strace $0x90000046  }
0xb9: {  	s29 =	simm.s32 $0x9;
	_ =	strace $0x80000048  }
0xba: {  	_ =	swait.ge [sflag:s29], $0x1  }
0xbb: {  	[sflag:s29] =	ssyncadd.s32 $0xFFFFFFFF  }
0xbc: {  	_ =	strace $0x90000048  }
0xbd: {  	_ =	sfence  }
0xbe: {  	s30 =	sld [smem:$0x0];
	_ =	sdelay $0x2  }
0xbf: {  	s31 =	sshll.u32 s1, $0xD;
	s1 =	sshrl.u32 s1, $0x2  }
0xc0: {  	s3 =	sand.u32 $0x4000, s31;
	s1 =	sadd.s32 s1, s30  }
0xc1: {  	s0 =	sor.u32 s3, s0;
	s1 =	sshll.u32 s1, $0x11  }
0xc2: {  	s0 =	sor.u32 s1, s0  }
0xc3: {  	s0 =	sadd.s32 $0x8F2B, s0  }
0xc4: {  	[sflag:s0] =	ssyncadd.remote.s32 $0x1  }
0xc5: {  	_ =	sfence.sel $0xFFFF  }
0xc6: {  	[dreg:$0x0] =	wrdreg $0xFFFFFFFF;
	(pc) =	sbr.abs _section_cstart, $3  }
0xc7: {  	[dreg:$0x1] =	wrdreg $0xFFFFFFFF  }
0xc8: {  	_ =	task.clear_ibuf [dreg:s8], $0x2FFFF;
	_ =	strace $0x9FFFFFFF  }
0xc9: {  	(tm) =	ssettm $0x7FFFFFFF  }
tec
execute0_lowered:
.L_overlay_start_1:
0x0: {  	(tag) =	ssettag $0x1  }
0x1: {  	s2 =	rddreg [dreg:$0x0]  }
0x2: {  	s7 =	rddreg [dreg:$0x1];
	s0 =	srdreg.scid  }
0x3: {  	s3 =	rddreg [dreg:$0x2];
	s1 =	stileid.u32  }
0x4: {  	s10 =	simm.s32 $0x3;
	s13 =	simm.s32 $0x0;
	s16 =	simm.s32 $0x0  }
0x5: {  	s15 =	simm.s32 $0x0;
	s4 =	sshll.u32 s0, $0x7;
	s0 =	rddreg [dreg:$0x3]  }
0x6: {  	s5 =	sshll.u32 s1, $0x8;
	_ =	strace $0x80000047;
	s6 =	sand.u32 $0x80, s4  }
0x7: {  	s7 =	sadd.s32 $0x800, s7;
	s4 =	simm.s32 $0x1;
	s5 =	sor.u32 s5, s6  }
0x8: {  	s11 =	sadd.s32 $0x2DC780, s3;
	[sflag:s4] =	ssyncpa.u1 $0x0;
	s8 =	ssub.s32 $0xF4280, s5  }
.Ltmp0:
0x9: {  	s6 =	simm.s32 $0x2;
	s9 =	sand.u32 $0xF80, s8;
	(pc) =	sbr.rel .LBB2_1-.Ltmp0, $4  }
0xa: {  	[sflag:s6] =	ssyncpa.u1 $0x0;
	p0 =	sne.s32 s9, $0x0;
	s9 =	simm.s32 $0x1  }
0xb: {  	s14 =	smov.u32 s5;
	s8 =	sshrl.u32 s8, $0xC;
	s9 =	simm.s32 @!p0 $0x0  }
0xc: {  	[sflag:s10] =	ssyncpa.u1 $0x0;
	s10 =	sadd.s32 $0x1E8500, s3;
	s8 =	sadd.s32 s9, s8  }
0xd: {  	vm0 =	vmmov $0xffff;
	v0 =	vlaneseq.u32;
	p0 =	por $0x0, $0x0;
	s9 =	sadd.s32 $0xF4280, s3;
	s12 =	sadd.s32 $0x1, s8  }
.LBB2_4:
0xe: {  	_ =	sdelay $0x3  }
0xf: {  	[tilespmem:s21], [sflag:$0x1] =	stream.indirect_vreg.gather [hbm4b:s2+s13], $0x1, v1, vm0, $0x4038;
	[tilespmem:$0x2100] =	vst v63  }
0x10: {  	v1 =	vld.msk [tilespmem:s24+$0x0 ss:$0x1], $0xffff;
	_ =	sdelay $0x4  }
0x11: {  	vm1 =	vgt.s32 v1, $0x0  }
0x12: {  	p1 =	sgt.s32 s19, $0x0;
	v1 =	vnsel vm1, $0x0, v1  }
0x13: {  	s19 =	simm.s32 @!p1 $0x0;
	v1 =	vmin.u32 v1, $0xF423F  }
0x14: {  	s19 =	smin.u32 s19, $0x10;
	v2 =	vshll.u32 v1, $0x3  }
0x15: {  	v3 =	vmov s19;
	v1 =	vand.u32 $0x7F, v1;
	v2 =	vand.u32 $0x7FFC00, v2  }
0x16: {  	vm1 =	vgt.u32 v3, v0;
	v1 =	vor.u32 v1, v2  }
0x17: {  	v2 =	vnsel vm1, $0x7FFFFFFF, v1;
	_ =	sdelay $0x1  }
0x18: {  	v3 =	vor.u32 $0x80, v1  }
0x19: {  	(ifvalue) =	ssetifvalue $0x7FFFFFFF;
	s22 =	rddreg [dreg:$0x5];
	v3 =	vnsel vm1, $0x7FFFFFFF, v3  }
0x1a: {  	(ifvalue) =	ssetifvalue $0x7FFFFFFF;
	s19 =	sadd.s32 s23, s22  }
0x1b: {  	v4 =	vor.u32 $0x100, v1;
	[tilespmem:s19], [sflag:$0x1] =	stream.indirect_vreg.gather [hbm4b:s2+s13], $0x1, v2, vm0, $0x4038;
	[tilespmem:$0x2100] =	vst v63  }
0x1c: {  	(ifvalue) =	ssetifvalue $0x7FFFFFFF;
	v2 =	vnsel vm1, $0x7FFFFFFF, v4  }
0x1d: {  	s20 =	sadd.s32 $0x80, s19;
	(ifvalue) =	ssetifvalue $0x7FFFFFFF  }
0x1e: {  	v36 =	vor.u32 $0x180, v1;
	[tilespmem:s20], [sflag:$0x1] =	stream.indirect_vreg.gather [hbm4b:s2+s13], $0x1, v3, vm0, $0x4038;
	[tilespmem:$0x2100] =	vst v63  }
0x1f: {  	v3 =	vnsel vm1, $0x7FFFFFFF, v36;
	(ifvalue) =	ssetifvalue $0x7FFFFFFF  }
0x20: {  	s24 =	sadd.s32 $0x100, s19;
	(ifvalue) =	ssetifvalue $0x7FFFFFFF  }
0x21: {  	v37 =	vor.u32 $0x200, v1;
	[tilespmem:s24], [sflag:$0x1] =	stream.indirect_vreg.gather [hbm4b:s2+s13], $0x1, v2, vm0, $0x4038;
	[tilespmem:$0x2100] =	vst v63  }
0x22: {  	(ifvalue) =	ssetifvalue $0x7FFFFFFF;
	v2 =	vnsel vm1, $0x7FFFFFFF, v37  }
0x23: {  	s25 =	sadd.s32 $0x180, s19;
	(ifvalue) =	ssetifvalue $0x7FFFFFFF  }
0x24: {  	v38 =	vor.u32 $0x280, v1;
	[tilespmem:s25], [sflag:$0x1] =	stream.indirect_vreg.gather [hbm4b:s2+s13], $0x1, v3, vm0, $0x4038;
	[tilespmem:$0x2100] =	vst v63  }
0x25: {  	v3 =	vnsel vm1, $0x7FFFFFFF, v38;
	(ifvalue) =	ssetifvalue $0x7FFFFFFF  }
0x26: {  	s26 =	sadd.s32 $0x200, s19;
	(ifvalue) =	ssetifvalue $0x7FFFFFFF  }
0x27: {  	v39 =	vor.u32 $0x300, v1;
	[tilespmem:s26], [sflag:$0x1] =	stream.indirect_vreg.gather [hbm4b:s2+s13], $0x1, v2, vm0, $0x4038;
	[tilespmem:$0x2100] =	vst v63  }
0x28: {  	(ifvalue) =	ssetifvalue $0x7FFFFFFF;
	v2 =	vnsel vm1, $0x7FFFFFFF, v39  }
0x29: {  	s28 =	sadd.s32 $0x280, s19;
	(ifvalue) =	ssetifvalue $0x7FFFFFFF  }
0x2a: {  	v40 =	vor.u32 $0x380, v1;
	[tilespmem:s28], [sflag:$0x1] =	stream.indirect_vreg.gather [hbm4b:s2+s13], $0x1, v3, vm0, $0x4038;
	[tilespmem:$0x2100] =	vst v63  }
0x2b: {  	v3 =	vnsel vm1, $0x7FFFFFFF, v40;
	(ifvalue) =	ssetifvalue $0x7FFFFFFF  }
0x2c: {  	s29 =	sadd.s32 $0x300, s19;
	(ifvalue) =	ssetifvalue $0x7FFFFFFF  }
0x2d: {  	v41 =	vadd.s32 $0x7A1400, v1;
	[tilespmem:s29], [sflag:$0x1] =	stream.indirect_vreg.gather [hbm4b:s2+s13], $0x1, v2, vm0, $0x4038;
	[tilespmem:$0x2100] =	vst v63  }
0x2e: {  	(ifvalue) =	ssetifvalue $0x7FFFFFFF;
	v2 =	vnsel vm1, $0x7FFFFFFF, v41  }
0x2f: {  	s30 =	sadd.s32 $0x380, s19;
	(ifvalue) =	ssetifvalue $0x7FFFFFFF  }
0x30: {  	v42 =	vadd.s32 $0x7A1480, v1;
	[tilespmem:s30], [sflag:$0x1] =	stream.indirect_vreg.gather [hbm4b:s2+s13], $0x1, v3, vm0, $0x4038;
	[tilespmem:$0x2100] =	vst v63  }
0x31: {  	v3 =	vnsel vm1, $0x7FFFFFFF, v42;
	(ifvalue) =	ssetifvalue $0x7FFFFFFF  }
0x32: {  	s31 =	sadd.s32 $0x400, s19;
	(ifvalue) =	ssetifvalue $0x7FFFFFFF  }
0x33: {  	v43 =	vadd.s32 $0x7A1500, v1;
	[tilespmem:s31], [sflag:$0x1] =	stream.indirect_vreg.gather [hbm4b:s2+s13], $0x1, v2, vm0, $0x4038;
	[tilespmem:$0x2100] =	vst v63  }
0x34: {  	(ifvalue) =	ssetifvalue $0x7FFFFFFF;
	v2 =	vnsel vm1, $0x7FFFFFFF, v43  }
0x35: {  	s21 =	sadd.s32 $0x480, s19;
	(ifvalue) =	ssetifvalue $0x7FFFFFFF  }
0x36: {  	v44 =	vadd.s32 $0x7A1580, v1;
	[tilespmem:s21], [sflag:$0x1] =	stream.indirect_vreg.gather [hbm4b:s2+s13], $0x1, v3, vm0, $0x4038;
	[tilespmem:$0x2100] =	vst v63  }
0x37: {  	v3 =	vnsel vm1, $0x7FFFFFFF, v44;
	(ifvalue) =	ssetifvalue $0x7FFFFFFF  }
0x38: {  	s22 =	sadd.s32 $0x500, s19;
	(ifvalue) =	ssetifvalue $0x7FFFFFFF  }
0x39: {  	v45 =	vadd.s32 $0x7A1600, v1;
	[tilespmem:s22], [sflag:$0x1] =	stream.indirect_vreg.gather [hbm4b:s2+s13], $0x1, v2, vm0, $0x4038;
	[tilespmem:$0x2100] =	vst v63  }
0x3a: {  	(ifvalue) =	ssetifvalue $0x7FFFFFFF;
	v2 =	vnsel vm1, $0x7FFFFFFF, v45  }
0x3b: {  	s23 =	sadd.s32 $0x580, s19;
	(ifvalue) =	ssetifvalue $0x7FFFFFFF  }
0x3c: {  	v46 =	vadd.s32 $0x7A1680, v1;
	[tilespmem:s23], [sflag:$0x1] =	stream.indirect_vreg.gather [hbm4b:s2+s13], $0x1, v3, vm0, $0x4038;
	[tilespmem:$0x2100] =	vst v63  }
0x3d: {  	v3 =	vnsel vm1, $0x7FFFFFFF, v46;
	(ifvalue) =	ssetifvalue $0x7FFFFFFF  }
0x3e: {  	s24 =	sadd.s32 $0x600, s19;
	(ifvalue) =	ssetifvalue $0x7FFFFFFF  }
0x3f: {  	v47 =	vadd.s32 $0x7A1700, v1;
	[tilespmem:s24], [sflag:$0x1] =	stream.indirect_vreg.gather [hbm4b:s2+s13], $0x1, v2, vm0, $0x4038;
	[tilespmem:$0x2100] =	vst v63  }
0x40: {  	(ifvalue) =	ssetifvalue $0x7FFFFFFF;
	v2 =	vnsel vm1, $0x7FFFFFFF, v47  }
0x41: {  	s25 =	sadd.s32 $0x680, s19;
	(ifvalue) =	ssetifvalue $0x7FFFFFFF  }
0x42: {  	v48 =	vadd.s32 $0x7A1780, v1;
	[tilespmem:s25], [sflag:$0x1] =	stream.indirect_vreg.gather [hbm4b:s2+s13], $0x1, v3, vm0, $0x4038;
	[tilespmem:$0x2100] =	vst v63  }
0x43: {  	v3 =	vnsel vm1, $0x7FFFFFFF, v48;
	(ifvalue) =	ssetifvalue $0x7FFFFFFF  }
0x44: {  	s26 =	sadd.s32 $0x700, s19;
	(ifvalue) =	ssetifvalue $0x7FFFFFFF  }
0x45: {  	v49 =	vadd.s32 $0xF42800, v1;
	[tilespmem:s26], [sflag:$0x1] =	stream.indirect_vreg.gather [hbm4b:s2+s13], $0x1, v2, vm0, $0x4038;
	[tilespmem:$0x2100] =	vst v63  }
0x46: {  	(ifvalue) =	ssetifvalue $0x7FFFFFFF;
	v2 =	vnsel vm1, $0x7FFFFFFF, v49  }
0x47: {  	s28 =	sadd.s32 $0x780, s19;
	(ifvalue) =	ssetifvalue $0x7FFFFFFF  }
0x48: {  	v50 =	vadd.s32 $0xF42880, v1;
	[tilespmem:s28], [sflag:$0x1] =	stream.indirect_vreg.gather [hbm4b:s2+s13], $0x1, v3, vm0, $0x4038;
	[tilespmem:$0x2100] =	vst v63  }
0x49: {  	v3 =	vnsel vm1, $0x7FFFFFFF, v50;
	(ifvalue) =	ssetifvalue $0x7FFFFFFF  }
0x4a: {  	s29 =	sadd.s32 $0x800, s19;
	(ifvalue) =	ssetifvalue $0x7FFFFFFF  }
0x4b: {  	v51 =	vadd.s32 $0xF42900, v1;
	[tilespmem:s29], [sflag:$0x1] =	stream.indirect_vreg.gather [hbm4b:s2+s13], $0x1, v2, vm0, $0x4038;
	[tilespmem:$0x2100] =	vst v63  }
0x4c: {  	(ifvalue) =	ssetifvalue $0x7FFFFFFF;
	v2 =	vnsel vm1, $0x7FFFFFFF, v51  }
0x4d: {  	s30 =	sadd.s32 $0x880, s19;
	(ifvalue) =	ssetifvalue $0x7FFFFFFF  }
0x4e: {  	v52 =	vadd.s32 $0xF42980, v1;
	[tilespmem:s30], [sflag:$0x1] =	stream.indirect_vreg.gather [hbm4b:s2+s13], $0x1, v3, vm0, $0x4038;
	[tilespmem:$0x2100] =	vst v63  }
0x4f: {  	v3 =	vnsel vm1, $0x7FFFFFFF, v52;
	(ifvalue) =	ssetifvalue $0x7FFFFFFF  }
0x50: {  	s31 =	sadd.s32 $0x900, s19;
	(ifvalue) =	ssetifvalue $0x7FFFFFFF  }
0x51: {  	v53 =	vadd.s32 $0xF42A00, v1;
	[tilespmem:s31], [sflag:$0x1] =	stream.indirect_vreg.gather [hbm4b:s2+s13], $0x1, v2, vm0, $0x4038;
	[tilespmem:$0x2100] =	vst v63  }
0x52: {  	(ifvalue) =	ssetifvalue $0x7FFFFFFF;
	v2 =	vnsel vm1, $0x7FFFFFFF, v53  }
0x53: {  	s21 =	sadd.s32 $0x980, s19;
	(ifvalue) =	ssetifvalue $0x7FFFFFFF  }
0x54: {  	v54 =	vadd.s32 $0xF42A80, v1;
	[tilespmem:s21], [sflag:$0x1] =	stream.indirect_vreg.gather [hbm4b:s2+s13], $0x1, v3, vm0, $0x4038;
	[tilespmem:$0x2100] =	vst v63  }
0x55: {  	v3 =	vnsel vm1, $0x7FFFFFFF, v54;
	(ifvalue) =	ssetifvalue $0x7FFFFFFF  }
0x56: {  	s22 =	sadd.s32 $0xA00, s19;
	(ifvalue) =	ssetifvalue $0x7FFFFFFF  }
0x57: {  	v55 =	vadd.s32 $0xF42B00, v1;
	[tilespmem:s22], [sflag:$0x1] =	stream.indirect_vreg.gather [hbm4b:s2+s13], $0x1, v2, vm0, $0x4038;
	[tilespmem:$0x2100] =	vst v63  }
0x58: {  	(ifvalue) =	ssetifvalue $0x7FFFFFFF;
	v2 =	vnsel vm1, $0x7FFFFFFF, v55  }
0x59: {  	s23 =	sadd.s32 $0xA80, s19;
	(ifvalue) =	ssetifvalue $0x7FFFFFFF  }
0x5a: {  	v56 =	vadd.s32 $0xF42B80, v1;
	[tilespmem:s23], [sflag:$0x1] =	stream.indirect_vreg.gather [hbm4b:s2+s13], $0x1, v3, vm0, $0x4038;
	[tilespmem:$0x2100] =	vst v63  }
0x5b: {  	v3 =	vnsel vm1, $0x7FFFFFFF, v56;
	(ifvalue) =	ssetifvalue $0x7FFFFFFF  }
0x5c: {  	s24 =	sadd.s32 $0xB00, s19;
	(ifvalue) =	ssetifvalue $0x7FFFFFFF  }
0x5d: {  	v57 =	vadd.s32 $0x16E3C00, v1;
	[tilespmem:s24], [sflag:$0x1] =	stream.indirect_vreg.gather [hbm4b:s2+s13], $0x1, v2, vm0, $0x4038;
	[tilespmem:$0x2100] =	vst v63  }
0x5e: {  	(ifvalue) =	ssetifvalue $0x7FFFFFFF;
	v2 =	vnsel vm1, $0x7FFFFFFF, v57  }
0x5f: {  	s25 =	sadd.s32 $0xB80, s19;
	(ifvalue) =	ssetifvalue $0x7FFFFFFF  }
0x60: {  	v58 =	vadd.s32 $0x16E3C80, v1;
	[tilespmem:s25], [sflag:$0x1] =	stream.indirect_vreg.gather [hbm4b:s2+s13], $0x1, v3, vm0, $0x4038;
	[tilespmem:$0x2100] =	vst v63  }
0x61: {  	v3 =	vnsel vm1, $0x7FFFFFFF, v58;
	(ifvalue) =	ssetifvalue $0x7FFFFFFF  }
0x62: {  	s26 =	sadd.s32 $0xC00, s19;
	(ifvalue) =	ssetifvalue $0x7FFFFFFF  }
0x63: {  	v59 =	vadd.s32 $0x16E3D00, v1;
	[tilespmem:s26], [sflag:$0x1] =	stream.indirect_vreg.gather [hbm4b:s2+s13], $0x1, v2, vm0, $0x4038;
	[tilespmem:$0x2100] =	vst v63  }
0x64: {  	(ifvalue) =	ssetifvalue $0x7FFFFFFF;
	v2 =	vnsel vm1, $0x7FFFFFFF, v59  }
0x65: {  	s28 =	sadd.s32 $0xC80, s19;
	(ifvalue) =	ssetifvalue $0x7FFFFFFF  }
0x66: {  	v60 =	vadd.s32 $0x16E3D80, v1;
	[tilespmem:s28], [sflag:$0x1] =	stream.indirect_vreg.gather [hbm4b:s2+s13], $0x1, v3, vm0, $0x4038;
	[tilespmem:$0x2100] =	vst v63  }
0x67: {  	v3 =	vnsel vm1, $0x7FFFFFFF, v60;
	(ifvalue) =	ssetifvalue $0x7FFFFFFF  }
0x68: {  	s29 =	sadd.s32 $0xD00, s19;
	(ifvalue) =	ssetifvalue $0x7FFFFFFF  }
0x69: {  	v61 =	vadd.s32 $0x16E3E00, v1;
	[tilespmem:s29], [sflag:$0x1] =	stream.indirect_vreg.gather [hbm4b:s2+s13], $0x1, v2, vm0, $0x4038;
	[tilespmem:$0x2100] =	vst v63  }
0x6a: {  	(ifvalue) =	ssetifvalue $0x7FFFFFFF;
	v2 =	vnsel vm1, $0x7FFFFFFF, v61  }
0x6b: {  	s30 =	sadd.s32 $0xD80, s19;
	(ifvalue) =	ssetifvalue $0x7FFFFFFF  }
0x6c: {  	v62 =	vadd.s32 $0x16E3E80, v1;
	[tilespmem:s30], [sflag:$0x1] =	stream.indirect_vreg.gather [hbm4b:s2+s13], $0x1, v3, vm0, $0x4038;
	[tilespmem:$0x2100] =	vst v63  }
0x6d: {  	v3 =	vnsel vm1, $0x7FFFFFFF, v62;
	(ifvalue) =	ssetifvalue $0x7FFFFFFF  }
0x6e: {  	s31 =	sadd.s32 $0xE00, s19;
	(ifvalue) =	ssetifvalue $0x7FFFFFFF  }
0x6f: {  	v63 =	vadd.s32 $0x16E3F00, v1;
	[tilespmem:s31], [sflag:$0x1] =	stream.indirect_vreg.gather [hbm4b:s2+s13], $0x1, v2, vm0, $0x4038;
	[tilespmem:$0x2100] =	vst v63  }
0x70: {  	(ifvalue) =	ssetifvalue $0x7FFFFFFF;
	v2 =	vnsel vm1, $0x7FFFFFFF, v63  }
0x71: {  	s21 =	sadd.s32 $0xE80, s19;
	(ifvalue) =	ssetifvalue $0x7FFFFFFF  }
0x72: {  	v1 =	vadd.s32 $0x16E3F80, v1;
	[tilespmem:s21], [sflag:$0x1] =	stream.indirect_vreg.gather [hbm4b:s2+s13], $0x1, v3, vm0, $0x4038;
	[tilespmem:$0x2100] =	vst v63  }
0x73: {  	v1 =	vnsel vm1, $0x7FFFFFFF, v1;
	(ifvalue) =	ssetifvalue $0x7FFFFFFF  }
0x74: {  	s22 =	sadd.s32 $0xF00, s19;
	(ifvalue) =	ssetifvalue $0x7FFFFFFF  }
0x75: {  	[tilespmem:s22], [sflag:$0x1] =	stream.indirect_vreg.gather [hbm4b:s2+s13], $0x1, v2, vm0, $0x4038;
	[tilespmem:$0x2100] =	vst v63  }
0x76: {  	(ifvalue) =	ssetifvalue $0x7FFFFFFF  }
0x77: {  	s19 =	sadd.s32 $0xF80, s19;
	s23 =	sshll.u32 s16, $0x3;
	(ifvalue) =	ssetifvalue $0x7FFFFFFF  }
0x78: {  	[tilespmem:s19], [sflag:$0x1] =	stream.indirect_vreg.gather [hbm4b:s2+s13], $0x1, v1, vm0, $0x4038;
	[tilespmem:$0x2100] =	vst v63  }
0x79: {  	s24 =	sand.u32 $0x78, s16;
	s19 =	sand.u32 $0xFFFFFC00, s23  }
0x7a: {  	_ =	swait.ge [sflag:s4], $0x1000;
	s16 =	sor.u32 s24, s19  }
0x7b: {  	[sflag:s4] =	ssyncset.done $0x0;
	s16 =	sshrl.u32 s16, $0x3  }
0x7c: {  	[sflag:s4] =	ssyncadd.s32 $0xFFFFF000;
	s25 =	sadd.s32 s3, s16  }
0x7d: {  	[hbm:s25] =	stream.linear.scatter [tilespmem:s18], [sflag:$0x3], $0x400, $0x38;
	[tilespmem:$0x2100] =	vst v63  }
0x7e: {  	s26 =	sadd.s32 $0x500, s17;
	s28 =	sadd.s32 s16, s9  }
0x7f: {  	[hbm:s28] =	stream.linear.scatter [tilespmem:s26], [sflag:$0x3], $0x400, $0x38;
	[tilespmem:$0x2100] =	vst v63  }
0x80: {  	s29 =	sadd.s32 $0x900, s17;
	s30 =	sadd.s32 s16, s10  }
0x81: {  	[hbm:s30] =	stream.linear.scatter [tilespmem:s29], [sflag:$0x3], $0x400, $0x38;
	[tilespmem:$0x2100] =	vst v63  }
0x82: {  	s31 =	sadd.s32 $0xD00, s17;
	s16 =	sadd.s32 s16, s11  }
0x83: {  	[hbm:s16] =	stream.linear.scatter [tilespmem:s31], [sflag:$0x3], $0x400, $0x38;
	[tilespmem:$0x2100] =	vst v63  }
.LBB2_5:
0x84: {  	s18 =	sadd.s32 $0x1000, s14  }
0x85: {  	p2 =	sgt.s32 s18, $0xF427F  }
0x86: {  	s18 =	smov.u32 @p2 s5;
	p2 =	sne.s32 s15, s12  }
.Ltmp1:
0x87: {  	p1 =	slt.u32 s15, $0x2;
	(pc) =	sbr.rel @!p2 .LBB2_6-.Ltmp1, $4  }
0x88: {  	s17 =	simm.s32 @!p1 $0x3  }
0x89: {  	s19 =	sadd.s32 $0x1, s15;
	_ =	swait.ge @!p1 [sflag:s17], $0x1000  }
0x8a: {  	s16 =	smov.u32 s14;
	p0 =	por !p0, !p0;
	[sflag:s17] =	ssyncset.done @!p1 $0x0  }
0x8b: {  	s15 =	smov.u32 s19;
	s14 =	smov.u32 s18;
	[sflag:s17] =	ssyncadd.s32 @!p1 $0xFFFFF000  }
.LBB2_1:
0x8c: {  	p1 =	sge.u32 s15, s8  }
0x8d: {  	s17 =	sxor.u32 @!p1 $0xFFFFFFFF, s15  }
0x8e: {  	s31 =	sadd.s32 $0xFFFFFFFF, s15;
	s18 =	sshrl.u32 @!p1 s14, $0x3;
	s17 =	sshll.u32 @!p1 s17, $0x7  }
0x8f: {  	s19 =	sand.u32 @!p1 $0x7, s14;
	s18 =	sadd.s32 @!p1 s7, s18;
	s17 =	sand.u32 @!p1 $0x80, s17  }
0x90: {  	[tilespmem:s17], [sflag:$0x2] =	stream.linear.gather @!p1 [hbm4b:s18+s19], $0x80, $0x38;
	[tilespmem:$0x2100] =	vst v63  }
0x91: {  	p1 =	sge.u32 s31, s8  }
.Ltmp2:
0x92: {  	_ = 	snop;
	(pc) =	sbr.rel @p1 .LBB2_5-.Ltmp2, $1  }
0x93: {  	_ =	sdelay $0x3  }
0x94: {  	s17 =	simm.s32 $0x1  }
0x95: {  	s17 =	simm.s32 @!p0 $0x0  }
0x96: {  	s18 =	sshll.u32 s17, $0xC;
	s17 =	sshll.u32 s17, $0x7  }
0x97: {  	s18 =	sor.u32 $0x100, s18;
	[dreg:$0x4] =	wrdreg s17  }
0x98: {  	[dreg:$0x5] =	wrdreg s18  }
0x99: {  	_ =	swait.ge [sflag:s6], $0x80  }
0x9a: {  	s22 =	rddreg [dreg:$0x4];
	[sflag:s6] =	ssyncset.done $0x0  }
0x9b: {  	[sflag:s6] =	ssyncadd.s32 $0xFFFFFF80;
	s17 =	sadd.s32 $0x0, s22  }
0x9c: {  	v1 =	vld.msk [tilespmem:s17+$0x0 ss:$0x1], $0xffff;
	_ =	sdelay $0x2  }
0x9d: {  	s19 =	ssub.s32 $0xF4240, s16  }
0x9e: {  	p1 =	slt.s32 s19, $0x80  }
0x9f: {  	s19 =	simm.s32 @!p1 $0x80;
	vm1 =	vgt.s32 v1, $0x0  }
0xa0: {  	p1 =	sgt.s32 s19, $0x0;
	s17 =	smov.u32 s19;
	v1 =	vnsel vm1, $0x0, v1  }
0xa1: {  	s17 =	simm.s32 @!p1 $0x0;
	v1 =	vmin.u32 v1, $0xF423F  }
0xa2: {  	s17 =	smin.u32 s17, $0x10;
	v2 =	vshll.u32 v1, $0x3  }
0xa3: {  	v3 =	vmov s17;
	v1 =	vand.u32 $0x7F, v1;
	v2 =	vand.u32 $0x7FFC00, v2  }
0xa4: {  	vm1 =	vgt.u32 v3, v0;
	v1 =	vor.u32 v1, v2  }
0xa5: {  	v2 =	vnsel vm1, $0x7FFFFFFF, v1;
	_ =	sdelay $0x1  }
0xa6: {  	v3 =	vor.u32 $0x80, v1  }
0xa7: {  	(ifvalue) =	ssetifvalue $0x7FFFFFFF;
	s23 =	rddreg [dreg:$0x5];
	v3 =	vnsel vm1, $0x7FFFFFFF, v3  }
0xa8: {  	s21 =	sadd.s32 $0x0, s23;
	(ifvalue) =	ssetifvalue $0x7FFFFFFF  }
0xa9: {  	v4 =	vor.u32 $0x100, v1;
	[tilespmem:s21], [sflag:$0x1] =	stream.indirect_vreg.gather [hbm4b:s2+s13], $0x1, v2, vm0, $0x4038;
	[tilespmem:$0x2100] =	vst v63  }
0xaa: {  	(ifvalue) =	ssetifvalue $0x7FFFFFFF;
	v2 =	vnsel vm1, $0x7FFFFFFF, v4  }
0xab: {  	s17 =	sadd.s32 $0x80, s21;
	(ifvalue) =	ssetifvalue $0x7FFFFFFF  }
0xac: {  	v37 =	vor.u32 $0x180, v1;
	[tilespmem:s17], [sflag:$0x1] =	stream.indirect_vreg.gather [hbm4b:s2+s13], $0x1, v3, vm0, $0x4038;
	[tilespmem:$0x2100] =	vst v63  }
0xad: {  	v3 =	vnsel vm1, $0x7FFFFFFF, v37;
	(ifvalue) =	ssetifvalue $0x7FFFFFFF  }
0xae: {  	s24 =	sadd.s32 $0x100, s21;
	(ifvalue) =	ssetifvalue $0x7FFFFFFF  }
0xaf: {  	v38 =	vor.u32 $0x200, v1;
	[tilespmem:s24], [sflag:$0x1] =	stream.indirect_vreg.gather [hbm4b:s2+s13], $0x1, v2, vm0, $0x4038;
	[tilespmem:$0x2100] =	vst v63  }
0xb0: {  	(ifvalue) =	ssetifvalue $0x7FFFFFFF;
	v2 =	vnsel vm1, $0x7FFFFFFF, v38  }
0xb1: {  	s25 =	sadd.s32 $0x180, s21;
	(ifvalue) =	ssetifvalue $0x7FFFFFFF  }
0xb2: {  	v39 =	vor.u32 $0x280, v1;
	[tilespmem:s25], [sflag:$0x1] =	stream.indirect_vreg.gather [hbm4b:s2+s13], $0x1, v3, vm0, $0x4038;
	[tilespmem:$0x2100] =	vst v63  }
0xb3: {  	v3 =	vnsel vm1, $0x7FFFFFFF, v39;
	(ifvalue) =	ssetifvalue $0x7FFFFFFF  }
0xb4: {  	s26 =	sadd.s32 $0x200, s21;
	(ifvalue) =	ssetifvalue $0x7FFFFFFF  }
0xb5: {  	v40 =	vor.u32 $0x300, v1;
	[tilespmem:s26], [sflag:$0x1] =	stream.indirect_vreg.gather [hbm4b:s2+s13], $0x1, v2, vm0, $0x4038;
	[tilespmem:$0x2100] =	vst v63  }
0xb6: {  	(ifvalue) =	ssetifvalue $0x7FFFFFFF;
	v2 =	vnsel vm1, $0x7FFFFFFF, v40  }
0xb7: {  	s28 =	sadd.s32 $0x280, s21;
	(ifvalue) =	ssetifvalue $0x7FFFFFFF  }
0xb8: {  	v41 =	vor.u32 $0x380, v1;
	[tilespmem:s28], [sflag:$0x1] =	stream.indirect_vreg.gather [hbm4b:s2+s13], $0x1, v3, vm0, $0x4038;
	[tilespmem:$0x2100] =	vst v63  }
0xb9: {  	v3 =	vnsel vm1, $0x7FFFFFFF, v41;
	(ifvalue) =	ssetifvalue $0x7FFFFFFF  }
0xba: {  	s29 =	sadd.s32 $0x300, s21;
	(ifvalue) =	ssetifvalue $0x7FFFFFFF  }
0xbb: {  	v42 =	vadd.s32 $0x7A1400, v1;
	[tilespmem:s29], [sflag:$0x1] =	stream.indirect_vreg.gather [hbm4b:s2+s13], $0x1, v2, vm0, $0x4038;
	[tilespmem:$0x2100] =	vst v63  }
0xbc: {  	(ifvalue) =	ssetifvalue $0x7FFFFFFF;
	v2 =	vnsel vm1, $0x7FFFFFFF, v42  }
0xbd: {  	s30 =	sadd.s32 $0x380, s21;
	(ifvalue) =	ssetifvalue $0x7FFFFFFF  }
0xbe: {  	v43 =	vadd.s32 $0x7A1480, v1;
	[tilespmem:s30], [sflag:$0x1] =	stream.indirect_vreg.gather [hbm4b:s2+s13], $0x1, v3, vm0, $0x4038;
	[tilespmem:$0x2100] =	vst v63  }
0xbf: {  	v3 =	vnsel vm1, $0x7FFFFFFF, v43;
	(ifvalue) =	ssetifvalue $0x7FFFFFFF  }
0xc0: {  	s31 =	sadd.s32 $0x400, s21;
	(ifvalue) =	ssetifvalue $0x7FFFFFFF  }
0xc1: {  	v44 =	vadd.s32 $0x7A1500, v1;
	[tilespmem:s31], [sflag:$0x1] =	stream.indirect_vreg.gather [hbm4b:s2+s13], $0x1, v2, vm0, $0x4038;
	[tilespmem:$0x2100] =	vst v63  }
0xc2: {  	(ifvalue) =	ssetifvalue $0x7FFFFFFF;
	v2 =	vnsel vm1, $0x7FFFFFFF, v44  }
0xc3: {  	s18 =	sadd.s32 $0x480, s21;
	(ifvalue) =	ssetifvalue $0x7FFFFFFF  }
0xc4: {  	v45 =	vadd.s32 $0x7A1580, v1;
	[tilespmem:s18], [sflag:$0x1] =	stream.indirect_vreg.gather [hbm4b:s2+s13], $0x1, v3, vm0, $0x4038;
	[tilespmem:$0x2100] =	vst v63  }
0xc5: {  	v3 =	vnsel vm1, $0x7FFFFFFF, v45;
	(ifvalue) =	ssetifvalue $0x7FFFFFFF  }
0xc6: {  	s20 =	sadd.s32 $0x500, s21;
	(ifvalue) =	ssetifvalue $0x7FFFFFFF  }
0xc7: {  	v46 =	vadd.s32 $0x7A1600, v1;
	[tilespmem:s20], [sflag:$0x1] =	stream.indirect_vreg.gather [hbm4b:s2+s13], $0x1, v2, vm0, $0x4038;
	[tilespmem:$0x2100] =	vst v63  }
0xc8: {  	(ifvalue) =	ssetifvalue $0x7FFFFFFF;
	v2 =	vnsel vm1, $0x7FFFFFFF, v46  }
0xc9: {  	s22 =	sadd.s32 $0x580, s21;
	(ifvalue) =	ssetifvalue $0x7FFFFFFF  }
0xca: {  	v47 =	vadd.s32 $0x7A1680, v1;
	[tilespmem:s22], [sflag:$0x1] =	stream.indirect_vreg.gather [hbm4b:s2+s13], $0x1, v3, vm0, $0x4038;
	[tilespmem:$0x2100] =	vst v63  }
0xcb: {  	v3 =	vnsel vm1, $0x7FFFFFFF, v47;
	(ifvalue) =	ssetifvalue $0x7FFFFFFF  }
0xcc: {  	s23 =	sadd.s32 $0x600, s21;
	(ifvalue) =	ssetifvalue $0x7FFFFFFF  }
0xcd: {  	v48 =	vadd.s32 $0x7A1700, v1;
	[tilespmem:s23], [sflag:$0x1] =	stream.indirect_vreg.gather [hbm4b:s2+s13], $0x1, v2, vm0, $0x4038;
	[tilespmem:$0x2100] =	vst v63  }
0xce: {  	(ifvalue) =	ssetifvalue $0x7FFFFFFF;
	v2 =	vnsel vm1, $0x7FFFFFFF, v48  }
0xcf: {  	s24 =	sadd.s32 $0x680, s21;
	(ifvalue) =	ssetifvalue $0x7FFFFFFF  }
0xd0: {  	v49 =	vadd.s32 $0x7A1780, v1;
	[tilespmem:s24], [sflag:$0x1] =	stream.indirect_vreg.gather [hbm4b:s2+s13], $0x1, v3, vm0, $0x4038;
	[tilespmem:$0x2100] =	vst v63  }
0xd1: {  	v3 =	vnsel vm1, $0x7FFFFFFF, v49;
	(ifvalue) =	ssetifvalue $0x7FFFFFFF  }
0xd2: {  	s25 =	sadd.s32 $0x700, s21;
	(ifvalue) =	ssetifvalue $0x7FFFFFFF  }
0xd3: {  	v50 =	vadd.s32 $0xF42800, v1;
	[tilespmem:s25], [sflag:$0x1] =	stream.indirect_vreg.gather [hbm4b:s2+s13], $0x1, v2, vm0, $0x4038;
	[tilespmem:$0x2100] =	vst v63  }
0xd4: {  	(ifvalue) =	ssetifvalue $0x7FFFFFFF;
	v2 =	vnsel vm1, $0x7FFFFFFF, v50  }
0xd5: {  	s26 =	sadd.s32 $0x780, s21;
	(ifvalue) =	ssetifvalue $0x7FFFFFFF  }
0xd6: {  	v51 =	vadd.s32 $0xF42880, v1;
	[tilespmem:s26], [sflag:$0x1] =	stream.indirect_vreg.gather [hbm4b:s2+s13], $0x1, v3, vm0, $0x4038;
	[tilespmem:$0x2100] =	vst v63  }
0xd7: {  	v3 =	vnsel vm1, $0x7FFFFFFF, v51;
	(ifvalue) =	ssetifvalue $0x7FFFFFFF  }
0xd8: {  	s28 =	sadd.s32 $0x800, s21;
	(ifvalue) =	ssetifvalue $0x7FFFFFFF  }
0xd9: {  	v52 =	vadd.s32 $0xF42900, v1;
	[tilespmem:s28], [sflag:$0x1] =	stream.indirect_vreg.gather [hbm4b:s2+s13], $0x1, v2, vm0, $0x4038;
	[tilespmem:$0x2100] =	vst v63  }
0xda: {  	(ifvalue) =	ssetifvalue $0x7FFFFFFF;
	v2 =	vnsel vm1, $0x7FFFFFFF, v52  }
0xdb: {  	s29 =	sadd.s32 $0x880, s21;
	(ifvalue) =	ssetifvalue $0x7FFFFFFF  }
0xdc: {  	v53 =	vadd.s32 $0xF42980, v1;
	[tilespmem:s29], [sflag:$0x1] =	stream.indirect_vreg.gather [hbm4b:s2+s13], $0x1, v3, vm0, $0x4038;
	[tilespmem:$0x2100] =	vst v63  }
0xdd: {  	v3 =	vnsel vm1, $0x7FFFFFFF, v53;
	(ifvalue) =	ssetifvalue $0x7FFFFFFF  }
0xde: {  	s30 =	sadd.s32 $0x900, s21;
	(ifvalue) =	ssetifvalue $0x7FFFFFFF  }
0xdf: {  	v54 =	vadd.s32 $0xF42A00, v1;
	[tilespmem:s30], [sflag:$0x1] =	stream.indirect_vreg.gather [hbm4b:s2+s13], $0x1, v2, vm0, $0x4038;
	[tilespmem:$0x2100] =	vst v63  }
0xe0: {  	(ifvalue) =	ssetifvalue $0x7FFFFFFF;
	v2 =	vnsel vm1, $0x7FFFFFFF, v54  }
0xe1: {  	s31 =	sadd.s32 $0x980, s21;
	(ifvalue) =	ssetifvalue $0x7FFFFFFF  }
0xe2: {  	v55 =	vadd.s32 $0xF42A80, v1;
	[tilespmem:s31], [sflag:$0x1] =	stream.indirect_vreg.gather [hbm4b:s2+s13], $0x1, v3, vm0, $0x4038;
	[tilespmem:$0x2100] =	vst v63  }
0xe3: {  	v3 =	vnsel vm1, $0x7FFFFFFF, v55;
	(ifvalue) =	ssetifvalue $0x7FFFFFFF  }
0xe4: {  	s18 =	sadd.s32 $0xA00, s21;
	(ifvalue) =	ssetifvalue $0x7FFFFFFF  }
0xe5: {  	v56 =	vadd.s32 $0xF42B00, v1;
	[tilespmem:s18], [sflag:$0x1] =	stream.indirect_vreg.gather [hbm4b:s2+s13], $0x1, v2, vm0, $0x4038;
	[tilespmem:$0x2100] =	vst v63  }
0xe6: {  	(ifvalue) =	ssetifvalue $0x7FFFFFFF;
	v2 =	vnsel vm1, $0x7FFFFFFF, v56  }
0xe7: {  	s20 =	sadd.s32 $0xA80, s21;
	(ifvalue) =	ssetifvalue $0x7FFFFFFF  }
0xe8: {  	v57 =	vadd.s32 $0xF42B80, v1;
	[tilespmem:s20], [sflag:$0x1] =	stream.indirect_vreg.gather [hbm4b:s2+s13], $0x1, v3, vm0, $0x4038;
	[tilespmem:$0x2100] =	vst v63  }
0xe9: {  	v3 =	vnsel vm1, $0x7FFFFFFF, v57;
	(ifvalue) =	ssetifvalue $0x7FFFFFFF  }
0xea: {  	s22 =	sadd.s32 $0xB00, s21;
	(ifvalue) =	ssetifvalue $0x7FFFFFFF  }
0xeb: {  	v58 =	vadd.s32 $0x16E3C00, v1;
	[tilespmem:s22], [sflag:$0x1] =	stream.indirect_vreg.gather [hbm4b:s2+s13], $0x1, v2, vm0, $0x4038;
	[tilespmem:$0x2100] =	vst v63  }
0xec: {  	(ifvalue) =	ssetifvalue $0x7FFFFFFF;
	v2 =	vnsel vm1, $0x7FFFFFFF, v58  }
0xed: {  	s23 =	sadd.s32 $0xB80, s21;
	(ifvalue) =	ssetifvalue $0x7FFFFFFF  }
0xee: {  	v59 =	vadd.s32 $0x16E3C80, v1;
	[tilespmem:s23], [sflag:$0x1] =	stream.indirect_vreg.gather [hbm4b:s2+s13], $0x1, v3, vm0, $0x4038;
	[tilespmem:$0x2100] =	vst v63  }
0xef: {  	v3 =	vnsel vm1, $0x7FFFFFFF, v59;
	(ifvalue) =	ssetifvalue $0x7FFFFFFF  }
0xf0: {  	s24 =	sadd.s32 $0xC00, s21;
	(ifvalue) =	ssetifvalue $0x7FFFFFFF  }
0xf1: {  	v60 =	vadd.s32 $0x16E3D00, v1;
	[tilespmem:s24], [sflag:$0x1] =	stream.indirect_vreg.gather [hbm4b:s2+s13], $0x1, v2, vm0, $0x4038;
	[tilespmem:$0x2100] =	vst v63  }
0xf2: {  	(ifvalue) =	ssetifvalue $0x7FFFFFFF;
	v2 =	vnsel vm1, $0x7FFFFFFF, v60  }
0xf3: {  	s25 =	sadd.s32 $0xC80, s21;
	(ifvalue) =	ssetifvalue $0x7FFFFFFF  }
0xf4: {  	v61 =	vadd.s32 $0x16E3D80, v1;
	[tilespmem:s25], [sflag:$0x1] =	stream.indirect_vreg.gather [hbm4b:s2+s13], $0x1, v3, vm0, $0x4038;
	[tilespmem:$0x2100] =	vst v63  }
0xf5: {  	v3 =	vnsel vm1, $0x7FFFFFFF, v61;
	(ifvalue) =	ssetifvalue $0x7FFFFFFF  }
0xf6: {  	s26 =	sadd.s32 $0xD00, s21;
	(ifvalue) =	ssetifvalue $0x7FFFFFFF  }
0xf7: {  	v62 =	vadd.s32 $0x16E3E00, v1;
	[tilespmem:s26], [sflag:$0x1] =	stream.indirect_vreg.gather [hbm4b:s2+s13], $0x1, v2, vm0, $0x4038;
	[tilespmem:$0x2100] =	vst v63  }
0xf8: {  	(ifvalue) =	ssetifvalue $0x7FFFFFFF;
	v2 =	vnsel vm1, $0x7FFFFFFF, v62  }
0xf9: {  	s28 =	sadd.s32 $0xD80, s21;
	(ifvalue) =	ssetifvalue $0x7FFFFFFF  }
0xfa: {  	v63 =	vadd.s32 $0x16E3E80, v1;
	[tilespmem:s28], [sflag:$0x1] =	stream.indirect_vreg.gather [hbm4b:s2+s13], $0x1, v3, vm0, $0x4038;
	[tilespmem:$0x2100] =	vst v63  }
0xfb: {  	v3 =	vnsel vm1, $0x7FFFFFFF, v63;
	(ifvalue) =	ssetifvalue $0x7FFFFFFF  }
0xfc: {  	s29 =	sadd.s32 $0xE00, s21;
	(ifvalue) =	ssetifvalue $0x7FFFFFFF  }
0xfd: {  	[tilespmem:s29], [sflag:$0x1] =	stream.indirect_vreg.gather [hbm4b:s2+s13], $0x1, v2, vm0, $0x4038;
	v2 =	vadd.s32 $0x16E3F00, v1;
	[tilespmem:$0x2100] =	vst v63  }
0xfe: {  	s30 =	sshll.u32 s15, $0xC;
	(ifvalue) =	ssetifvalue $0x7FFFFFFF;
	v2 =	vnsel vm1, $0x7FFFFFFF, v2  }
0xff: {  	s31 =	sadd.s32 $0xE80, s21;
	s17 =	sand.u32 $0x1000, s30;
	(ifvalue) =	ssetifvalue $0x7FFFFFFF  }
0x100: {  	v1 =	vadd.s32 $0x16E3F80, v1;
	[tilespmem:s31], [sflag:$0x1] =	stream.indirect_vreg.gather [hbm4b:s2+s13], $0x1, v3, vm0, $0x4038;
	[tilespmem:$0x2100] =	vst v63  }
0x101: {  	s19 =	sadd.s32 $0xFFFFFFF0, s19;
	s18 =	sor.u32 $0x100, s17;
	v1 =	vnsel vm1, $0x7FFFFFFF, v1;
	(ifvalue) =	ssetifvalue $0x7FFFFFFF  }
0x102: {  	s23 =	sadd.s32 $0xF00, s21;
	s22 =	rddreg [dreg:$0x4];
	(ifvalue) =	ssetifvalue $0x7FFFFFFF  }
0x103: {  	[tilespmem:s23], [sflag:$0x1] =	stream.indirect_vreg.gather [hbm4b:s2+s13], $0x1, v2, vm0, $0x4038;
	[tilespmem:$0x2100] =	vst v63  }
0x104: {  	s20 =	simm.s32 $0x80;
	s21 =	sadd.s32 $0xF80, s21;
	(ifvalue) =	ssetifvalue $0x7FFFFFFF  }
0x105: {  	s24 =	sadd.s32 $0x10, s22;
	s23 =	simm.s32 $0x10;
	(ifvalue) =	ssetifvalue $0x7FFFFFFF  }
.LBB2_3:
0x106: {  	[tilespmem:s21], [sflag:$0x1] =	stream.indirect_vreg.gather [hbm4b:s2+s13], $0x1, v1, vm0, $0x4038;
	[tilespmem:$0x2100] =	vst v63  }
0x107: {  	v1 =	vld.msk [tilespmem:s24+$0x0 ss:$0x1], $0xffff;
	_ =	sdelay $0x4  }
0x108: {  	vm1 =	vgt.s32 v1, $0x0  }
0x109: {  	p2 =	sgt.s32 s19, $0x0;
	s24 =	smov.u32 s19;
	v1 =	vnsel vm1, $0x0, v1  }
0x10a: {  	s24 =	simm.s32 @!p2 $0x0;
	v1 =	vmin.u32 v1, $0xF423F  }
0x10b: {  	s24 =	smin.u32 s24, $0x10;
	v2 =	vshll.u32 v1, $0x3  }
0x10c: {  	v3 =	vmov s24;
	v1 =	vand.u32 $0x7F, v1;
	v2 =	vand.u32 $0x7FFC00, v2  }
0x10d: {  	vm1 =	vgt.u32 v3, v0;
	v1 =	vor.u32 v1, v2  }
0x10e: {  	v2 =	vnsel vm1, $0x7FFFFFFF, v1;
	_ =	sdelay $0x1  }
0x10f: {  	v3 =	vor.u32 $0x80, v1  }
0x110: {  	(ifvalue) =	ssetifvalue $0x7FFFFFFF;
	s22 =	rddreg [dreg:$0x5];
	v3 =	vnsel vm1, $0x7FFFFFFF, v3  }
0x111: {  	s22 =	sadd.s32 s23, s22;
	(ifvalue) =	ssetifvalue $0x7FFFFFFF  }
0x112: {  	v4 =	vor.u32 $0x100, v1;
	[tilespmem:s22], [sflag:$0x1] =	stream.indirect_vreg.gather [hbm4b:s2+s13], $0x1, v2, vm0, $0x4038;
	[tilespmem:$0x2100] =	vst v63  }
0x113: {  	(ifvalue) =	ssetifvalue $0x7FFFFFFF;
	v2 =	vnsel vm1, $0x7FFFFFFF, v4  }
0x114: {  	s23 =	sadd.s32 $0x80, s22;
	(ifvalue) =	ssetifvalue $0x7FFFFFFF  }
0x115: {  	v5 =	vor.u32 $0x180, v1;
	[tilespmem:s23], [sflag:$0x1] =	stream.indirect_vreg.gather [hbm4b:s2+s13], $0x1, v3, vm0, $0x4038;
	[tilespmem:$0x2100] =	vst v63  }
0x116: {  	v29 =	vnsel vm1, $0x7FFFFFFF, v5;
	(ifvalue) =	ssetifvalue $0x7FFFFFFF  }
0x117: {  	s30 =	sadd.s32 $0x100, s22;
	(ifvalue) =	ssetifvalue $0x7FFFFFFF  }
0x118: {  	v16 =	vor.u32 $0x200, v1;
	[tilespmem:s30], [sflag:$0x1] =	stream.indirect_vreg.gather [hbm4b:s2+s13], $0x1, v2, vm0, $0x4038;
	[tilespmem:$0x2100] =	vst v63  }
0x119: {  	v16 =	vnsel vm1, $0x7FFFFFFF, v16;
	(ifvalue) =	ssetifvalue $0x7FFFFFFF  }
0x11a: {  	s31 =	sadd.s32 $0x180, s22;
	(ifvalue) =	ssetifvalue $0x7FFFFFFF  }
0x11b: {  	v17 =	vor.u32 $0x280, v1;
	[tilespmem:s31], [sflag:$0x1] =	stream.indirect_vreg.gather [hbm4b:s2+s13], $0x1, v29, vm0, $0x4038;
	[tilespmem:$0x2100] =	vst v63  }
0x11c: {  	v17 =	vnsel vm1, $0x7FFFFFFF, v17;
	(ifvalue) =	ssetifvalue $0x7FFFFFFF  }
0x11d: {  	s24 =	sadd.s32 $0x200, s22;
	(ifvalue) =	ssetifvalue $0x7FFFFFFF  }
0x11e: {  	v18 =	vor.u32 $0x300, v1;
	[tilespmem:s24], [sflag:$0x1] =	stream.indirect_vreg.gather [hbm4b:s2+s13], $0x1, v16, vm0, $0x4038;
	[tilespmem:$0x2100] =	vst v63  }
0x11f: {  	v53 =	vnsel vm1, $0x7FFFFFFF, v18;
	(ifvalue) =	ssetifvalue $0x7FFFFFFF  }
0x120: {  	s25 =	sadd.s32 $0x280, s22;
	(ifvalue) =	ssetifvalue $0x7FFFFFFF  }
0x121: {  	v19 =	vor.u32 $0x380, v1;
	[tilespmem:s25], [sflag:$0x1] =	stream.indirect_vreg.gather [hbm4b:s2+s13], $0x1, v17, vm0, $0x4038;
	[tilespmem:$0x2100] =	vst v63  }
0x122: {  	v54 =	vnsel vm1, $0x7FFFFFFF, v19;
	(ifvalue) =	ssetifvalue $0x7FFFFFFF  }
0x123: {  	s26 =	sadd.s32 $0x300, s22;
	(ifvalue) =	ssetifvalue $0x7FFFFFFF  }
0x124: {  	v20 =	vadd.s32 $0x7A1400, v1;
	[tilespmem:s26], [sflag:$0x1] =	stream.indirect_vreg.gather [hbm4b:s2+s13], $0x1, v53, vm0, $0x4038;
	[tilespmem:$0x2100] =	vst v63  }
0x125: {  	v55 =	vnsel vm1, $0x7FFFFFFF, v20;
	(ifvalue) =	ssetifvalue $0x7FFFFFFF  }
0x126: {  	s28 =	sadd.s32 $0x380, s22;
	(ifvalue) =	ssetifvalue $0x7FFFFFFF  }
0x127: {  	v21 =	vadd.s32 $0x7A1480, v1;
	[tilespmem:s28], [sflag:$0x1] =	stream.indirect_vreg.gather [hbm4b:s2+s13], $0x1, v54, vm0, $0x4038;
	[tilespmem:$0x2100] =	vst v63  }
0x128: {  	v56 =	vnsel vm1, $0x7FFFFFFF, v21;
	(ifvalue) =	ssetifvalue $0x7FFFFFFF  }
0x129: {  	s29 =	sadd.s32 $0x400, s22;
	(ifvalue) =	ssetifvalue $0x7FFFFFFF  }
0x12a: {  	v22 =	vadd.s32 $0x7A1500, v1;
	[tilespmem:s29], [sflag:$0x1] =	stream.indirect_vreg.gather [hbm4b:s2+s13], $0x1, v55, vm0, $0x4038;
	[tilespmem:$0x2100] =	vst v63  }
0x12b: {  	v57 =	vnsel vm1, $0x7FFFFFFF, v22;
	(ifvalue) =	ssetifvalue $0x7FFFFFFF  }
0x12c: {  	s30 =	sadd.s32 $0x480, s22;
	(ifvalue) =	ssetifvalue $0x7FFFFFFF  }
0x12d: {  	v23 =	vadd.s32 $0x7A1580, v1;
	[tilespmem:s30], [sflag:$0x1] =	stream.indirect_vreg.gather [hbm4b:s2+s13], $0x1, v56, vm0, $0x4038;
	[tilespmem:$0x2100] =	vst v63  }
0x12e: {  	v58 =	vnsel vm1, $0x7FFFFFFF, v23;
	(ifvalue) =	ssetifvalue $0x7FFFFFFF  }
0x12f: {  	s31 =	sadd.s32 $0x500, s22;
	(ifvalue) =	ssetifvalue $0x7FFFFFFF  }
0x130: {  	v24 =	vadd.s32 $0x7A1600, v1;
	[tilespmem:s31], [sflag:$0x1] =	stream.indirect_vreg.gather [hbm4b:s2+s13], $0x1, v57, vm0, $0x4038;
	[tilespmem:$0x2100] =	vst v63  }
0x131: {  	v59 =	vnsel vm1, $0x7FFFFFFF, v24;
	(ifvalue) =	ssetifvalue $0x7FFFFFFF  }
0x132: {  	s24 =	sadd.s32 $0x580, s22;
	(ifvalue) =	ssetifvalue $0x7FFFFFFF  }
0x133: {  	v25 =	vadd.s32 $0x7A1680, v1;
	[tilespmem:s24], [sflag:$0x1] =	stream.indirect_vreg.gather [hbm4b:s2+s13], $0x1, v58, vm0, $0x4038;
	[tilespmem:$0x2100] =	vst v63  }
0x134: {  	v60 =	vnsel vm1, $0x7FFFFFFF, v25;
	(ifvalue) =	ssetifvalue $0x7FFFFFFF  }
0x135: {  	s25 =	sadd.s32 $0x600, s22;
	(ifvalue) =	ssetifvalue $0x7FFFFFFF  }
0x136: {  	v26 =	vadd.s32 $0x7A1700, v1;
	[tilespmem:s25], [sflag:$0x1] =	stream.indirect_vreg.gather [hbm4b:s2+s13], $0x1, v59, vm0, $0x4038;
	[tilespmem:$0x2100] =	vst v63  }
0x137: {  	v61 =	vnsel vm1, $0x7FFFFFFF, v26;
	(ifvalue) =	ssetifvalue $0x7FFFFFFF  }
0x138: {  	s26 =	sadd.s32 $0x680, s22;
	(ifvalue) =	ssetifvalue $0x7FFFFFFF  }
0x139: {  	v27 =	vadd.s32 $0x7A1780, v1;
	[tilespmem:s26], [sflag:$0x1] =	stream.indirect_vreg.gather [hbm4b:s2+s13], $0x1, v60, vm0, $0x4038;
	[tilespmem:$0x2100] =	vst v63  }
0x13a: {  	v62 =	vnsel vm1, $0x7FFFFFFF, v27;
	(ifvalue) =	ssetifvalue $0x7FFFFFFF  }
0x13b: {  	s28 =	sadd.s32 $0x700, s22;
	(ifvalue) =	ssetifvalue $0x7FFFFFFF  }
0x13c: {  	v28 =	vadd.s32 $0xF42800, v1;
	[tilespmem:s28], [sflag:$0x1] =	stream.indirect_vreg.gather [hbm4b:s2+s13], $0x1, v61, vm0, $0x4038;
	[tilespmem:$0x2100] =	vst v63  }
0x13d: {  	v63 =	vnsel vm1, $0x7FFFFFFF, v28;
	(ifvalue) =	ssetifvalue $0x7FFFFFFF  }
0x13e: {  	s29 =	sadd.s32 $0x780, s22;
	(ifvalue) =	ssetifvalue $0x7FFFFFFF  }
0x13f: {  	v15 =	vadd.s32 $0xF42880, v1;
	[tilespmem:s29], [sflag:$0x1] =	stream.indirect_vreg.gather [hbm4b:s2+s13], $0x1, v62, vm0, $0x4038;
	[tilespmem:$0x2100] =	vst v63  }
0x140: {  	v15 =	vnsel vm1, $0x7FFFFFFF, v15;
	(ifvalue) =	ssetifvalue $0x7FFFFFFF  }
0x141: {  	s30 =	sadd.s32 $0x800, s22;
	(ifvalue) =	ssetifvalue $0x7FFFFFFF  }
0x142: {  	v14 =	vadd.s32 $0xF42900, v1;
	[tilespmem:s30], [sflag:$0x1] =	stream.indirect_vreg.gather [hbm4b:s2+s13], $0x1, v63, vm0, $0x4038;
	[tilespmem:$0x2100] =	vst v63  }
0x143: {  	v14 =	vnsel vm1, $0x7FFFFFFF, v14;
	(ifvalue) =	ssetifvalue $0x7FFFFFFF  }
0x144: {  	s31 =	sadd.s32 $0x880, s22;
	(ifvalue) =	ssetifvalue $0x7FFFFFFF  }
0x145: {  	v13 =	vadd.s32 $0xF42980, v1;
	[tilespmem:s31], [sflag:$0x1] =	stream.indirect_vreg.gather [hbm4b:s2+s13], $0x1, v15, vm0, $0x4038;
	[tilespmem:$0x2100] =	vst v63  }
0x146: {  	v13 =	vnsel vm1, $0x7FFFFFFF, v13;
	(ifvalue) =	ssetifvalue $0x7FFFFFFF  }
0x147: {  	s24 =	sadd.s32 $0x900, s22;
	(ifvalue) =	ssetifvalue $0x7FFFFFFF  }
0x148: {  	v12 =	vadd.s32 $0xF42A00, v1;
	[tilespmem:s24], [sflag:$0x1] =	stream.indirect_vreg.gather [hbm4b:s2+s13], $0x1, v14, vm0, $0x4038;
	[tilespmem:$0x2100] =	vst v63  }
0x149: {  	v12 =	vnsel vm1, $0x7FFFFFFF, v12;
	(ifvalue) =	ssetifvalue $0x7FFFFFFF  }
0x14a: {  	s25 =	sadd.s32 $0x980, s22;
	(ifvalue) =	ssetifvalue $0x7FFFFFFF  }
0x14b: {  	v11 =	vadd.s32 $0xF42A80, v1;
	[tilespmem:s25], [sflag:$0x1] =	stream.indirect_vreg.gather [hbm4b:s2+s13], $0x1, v13, vm0, $0x4038;
	[tilespmem:$0x2100] =	vst v63  }
0x14c: {  	v11 =	vnsel vm1, $0x7FFFFFFF, v11;
	(ifvalue) =	ssetifvalue $0x7FFFFFFF  }
0x14d: {  	s26 =	sadd.s32 $0xA00, s22;
	(ifvalue) =	ssetifvalue $0x7FFFFFFF  }
0x14e: {  	v10 =	vadd.s32 $0xF42B00, v1;
	[tilespmem:s26], [sflag:$0x1] =	stream.indirect_vreg.gather [hbm4b:s2+s13], $0x1, v12, vm0, $0x4038;
	[tilespmem:$0x2100] =	vst v63  }
0x14f: {  	v10 =	vnsel vm1, $0x7FFFFFFF, v10;
	(ifvalue) =	ssetifvalue $0x7FFFFFFF  }
0x150: {  	s28 =	sadd.s32 $0xA80, s22;
	(ifvalue) =	ssetifvalue $0x7FFFFFFF  }
0x151: {  	v9 =	vadd.s32 $0xF42B80, v1;
	[tilespmem:s28], [sflag:$0x1] =	stream.indirect_vreg.gather [hbm4b:s2+s13], $0x1, v11, vm0, $0x4038;
	[tilespmem:$0x2100] =	vst v63  }
0x152: {  	v9 =	vnsel vm1, $0x7FFFFFFF, v9;
	(ifvalue) =	ssetifvalue $0x7FFFFFFF  }
0x153: {  	s29 =	sadd.s32 $0xB00, s22;
	(ifvalue) =	ssetifvalue $0x7FFFFFFF  }
0x154: {  	v8 =	vadd.s32 $0x16E3C00, v1;
	[tilespmem:s29], [sflag:$0x1] =	stream.indirect_vreg.gather [hbm4b:s2+s13], $0x1, v10, vm0, $0x4038;
	[tilespmem:$0x2100] =	vst v63  }
0x155: {  	v8 =	vnsel vm1, $0x7FFFFFFF, v8;
	(ifvalue) =	ssetifvalue $0x7FFFFFFF  }
0x156: {  	s30 =	sadd.s32 $0xB80, s22;
	(ifvalue) =	ssetifvalue $0x7FFFFFFF  }
0x157: {  	v7 =	vadd.s32 $0x16E3C80, v1;
	[tilespmem:s30], [sflag:$0x1] =	stream.indirect_vreg.gather [hbm4b:s2+s13], $0x1, v9, vm0, $0x4038;
	[tilespmem:$0x2100] =	vst v63  }
0x158: {  	v7 =	vnsel vm1, $0x7FFFFFFF, v7;
	(ifvalue) =	ssetifvalue $0x7FFFFFFF  }
0x159: {  	s31 =	sadd.s32 $0xC00, s22;
	(ifvalue) =	ssetifvalue $0x7FFFFFFF  }
0x15a: {  	v6 =	vadd.s32 $0x16E3D00, v1;
	[tilespmem:s31], [sflag:$0x1] =	stream.indirect_vreg.gather [hbm4b:s2+s13], $0x1, v8, vm0, $0x4038;
	[tilespmem:$0x2100] =	vst v63  }
0x15b: {  	v6 =	vnsel vm1, $0x7FFFFFFF, v6;
	(ifvalue) =	ssetifvalue $0x7FFFFFFF  }
0x15c: {  	s24 =	sadd.s32 $0xC80, s22;
	(ifvalue) =	ssetifvalue $0x7FFFFFFF  }
0x15d: {  	v51 =	vadd.s32 $0x16E3D80, v1;
	[tilespmem:s24], [sflag:$0x1] =	stream.indirect_vreg.gather [hbm4b:s2+s13], $0x1, v7, vm0, $0x4038;
	[tilespmem:$0x2100] =	vst v63  }
0x15e: {  	v5 =	vnsel vm1, $0x7FFFFFFF, v51;
	(ifvalue) =	ssetifvalue $0x7FFFFFFF  }
0x15f: {  	s25 =	sadd.s32 $0xD00, s22;
	(ifvalue) =	ssetifvalue $0x7FFFFFFF  }
0x160: {  	v52 =	vadd.s32 $0x16E3E00, v1;
	[tilespmem:s25], [sflag:$0x1] =	stream.indirect_vreg.gather [hbm4b:s2+s13], $0x1, v6, vm0, $0x4038;
	[tilespmem:$0x2100] =	vst v63  }
0x161: {  	v4 =	vnsel vm1, $0x7FFFFFFF, v52;
	(ifvalue) =	ssetifvalue $0x7FFFFFFF  }
0x162: {  	s26 =	sadd.s32 $0xD80, s22;
	(ifvalue) =	ssetifvalue $0x7FFFFFFF  }
0x163: {  	v3 =	vadd.s32 $0x16E3E80, v1;
	[tilespmem:s26], [sflag:$0x1] =	stream.indirect_vreg.gather [hbm4b:s2+s13], $0x1, v5, vm0, $0x4038;
	[tilespmem:$0x2100] =	vst v63  }
0x164: {  	v3 =	vnsel vm1, $0x7FFFFFFF, v3;
	(ifvalue) =	ssetifvalue $0x7FFFFFFF  }
0x165: {  	s28 =	sadd.s32 $0xE00, s22;
	(ifvalue) =	ssetifvalue $0x7FFFFFFF  }
0x166: {  	v2 =	vadd.s32 $0x16E3F00, v1;
	[tilespmem:s28], [sflag:$0x1] =	stream.indirect_vreg.gather [hbm4b:s2+s13], $0x1, v4, vm0, $0x4038;
	[tilespmem:$0x2100] =	vst v63  }
0x167: {  	p1 =	sne.s32 s20, $0x1C0;
	v2 =	vnsel vm1, $0x7FFFFFFF, v2;
	(ifvalue) =	ssetifvalue $0x7FFFFFFF  }
0x168: {  	s21 =	smov.u32 s20;
	s29 =	sadd.s32 $0xE80, s22;
	(ifvalue) =	ssetifvalue $0x7FFFFFFF  }
0x169: {  	[tilespmem:s29], [sflag:$0x1] =	stream.indirect_vreg.gather [hbm4b:s2+s13], $0x1, v3, vm0, $0x4038;
	[tilespmem:$0x2100] =	vst v63  }
.Ltmp3:
0x16a: {  	s20 =	sadd.s32 $0x40, s20;
	(ifvalue) =	ssetifvalue $0x7FFFFFFF;
	(pc) =	sbr.rel @p1 .LBB2_3-.Ltmp3, $4  }
0x16b: {  	s31 =	sadd.s32 $0xF00, s22;
	s30 =	rddreg [dreg:$0x4];
	(ifvalue) =	ssetifvalue $0x7FFFFFFF  }
0x16c: {  	[tilespmem:s31], [sflag:$0x1] =	stream.indirect_vreg.gather [hbm4b:s2+s13], $0x1, v2, vm0, $0x4038;
	[tilespmem:$0x2100] =	vst v63  }
0x16d: {  	s19 =	sadd.s32 $0xFFFFFFF0, s19;
	s23 =	sshra.s32 s21, $0x2;
	v1 =	vadd.s32 $0x16E3F80, v1;
	(ifvalue) =	ssetifvalue $0x7FFFFFFF  }
0x16e: {  	s21 =	sadd.s32 $0xF80, s22;
	v1 =	vnsel vm1, $0x7FFFFFFF, v1;
	s24 =	sadd.s32 s23, s30;
	(ifvalue) =	ssetifvalue $0x7FFFFFFF  }
.Ltmp4:
0x16f: {  	_ = 	snop;
	(pc) =	sbr.rel .LBB2_4-.Ltmp4, $1  }
0x170: {  	_ =	sdelay $0x3  }
.LBB2_6:
0x171: {  	_ =	sfence.sel $0x180000  }
0x172: {  	s2 =	simm.s32 $0x2;
	[bflag:$0x0] =	sbarrier.arrive $0xFFFF  }
0x173: {  	s30 =	simm.s32 $0x3;
	[sflag:s2] =	ssyncpa.u1 $0x1  }
0x174: {  	s31 =	simm.s32 $0x1;
	[sflag:s30] =	ssyncpa.u1 $0x1  }
0x175: {  	[sflag:s31] =	ssyncpa.u1 $0x1  }
0x176: {  	p0 =	sne.s32 s1, $0x0;
	_ =	strace $0x90000047  }
0x177: {  	s0 =	sadd.s32 @!p0 $0x100000, s0;
	[bflag:$0x2] =	sbarrier.arrive $0xFFFF  }
0x178: {  	[sflag:s0] =	ssyncadd.tile.s32 @!p0 $0x1;
	_ =	shalt  }
.Lfunc_end2:
_tile_overlayer_lowered:
.L_overlay_start_2:
0x179: {  	(tag) =	ssettag $0x2  }
0x17a: {  	s0 =	rddreg [dreg:$0x0];
	s2 =	stileid.u32  }
0x17b: {  	s1 =	rddreg [dreg:$0x1];
	p0 =	sne.s32 s2, $0x0  }
0x17c: {  	s3 =	rddreg [dreg:$0x2];
	[bflag:$0x3] =	sbarrier.arrive $0xFFFF;
	s2 =	simm.s32 @!p0 $0x1C01  }
0x17d: {  	[timem:s3], [sflag:s2] =	dma.local @!p0 [hbm:s0], s1  }
0x17e: {  	s0 =	simm.s32 @!p0 $0x1  }
0x17f: {  	_ =	swait.ge @!p0 [sflag:s0], s1  }
0x180: {  	s1 =	ssub.s32 @!p0 $0x0, s1;
	[sflag:s0] =	ssyncset.done @!p0 $0x0  }
0x181: {  	[sflag:s0] =	ssyncadd.s32 @!p0 s1  }
0x182: {  	[bflag:$0x3] =	sbarrier.arrive $0xFFFF  }
0x183: {  	_ =	shalt  }

</sc_bundles>
